<compile_context>
chip_gen: v7x
topology: tpu7x:2x2x1
jax: 0.10.2.dev20260603
libtpu: 0.0.44.dev20260713+nightly
codegen_flags: <defaults>
</compile_context>

<pallas_src>
import jax
import jax.numpy as jnp
from jax import lax
from jax.experimental import pallas as pl
from jax.experimental.pallas import tpu as pltpu
from jax.experimental.pallas import tpu_sc as plsc

N_REQ = 4096
ROW = 32768
SUB = 8
LANE = 128
NC = 2
NS = 16
NW = NC * NS
B_PER_W = N_REQ // NW
L = 16


def _sc_body(table_hbm, pool_hbm, prefix_hbm, out_hbm, buf_v, sem):
    wid = lax.axis_index("s") * NC + lax.axis_index("c")
    base = wid * B_PER_W
    pool_v = buf_v.at[pl.ds(0, B_PER_W)]
    prefix_v = buf_v.at[pl.ds(B_PER_W, B_PER_W)]
    idx_v = buf_v.at[pl.ds(2 * B_PER_W, B_PER_W)]
    gath_v = buf_v.at[pl.ds(3 * B_PER_W, B_PER_W)]
    cp_pool = pltpu.async_copy(pool_hbm.at[pl.ds(base, B_PER_W)], pool_v, sem)
    cp_pref = pltpu.async_copy(prefix_hbm.at[pl.ds(base, B_PER_W)], prefix_v, sem)
    cp_pool.wait()
    cp_pref.wait()

    def compute_idx(i, _):
        s = pl.ds(i * L, L)
        p = pool_v[s]
        col = jnp.maximum(prefix_v[s] - 1, 0)
        idx_v[s] = (((p >> 3) * (ROW // LANE) + (col >> 7)) * (SUB * LANE)
                    + ((p & (SUB - 1)) << 7) + (col & (LANE - 1)))
        return 0

    lax.fori_loop(0, B_PER_W // L, compute_idx, 0, unroll=2)
    pltpu.async_copy(table_hbm.at[idx_v], gath_v, sem).wait()

    def apply_mask(i, _):
        s = pl.ds(i * L, L)
        gath_v[s] = jnp.where(prefix_v[s] > 0, gath_v[s], jnp.int32(-1))
        return 0

    lax.fori_loop(0, B_PER_W // L, apply_mask, 0, unroll=2)
    pltpu.sync_copy(gath_v, out_hbm.at[pl.ds(base, B_PER_W)])


@jax.jit
def _last_loc(table_flat, pool_idx, prefix_lens):
    mesh = plsc.VectorSubcoreMesh(core_axis_name="c", subcore_axis_name="s")
    return pl.kernel(
        _sc_body,
        mesh=mesh,
        out_type=jax.ShapeDtypeStruct((N_REQ,), jnp.int32),
        scratch_types=[
            pltpu.VMEM((4 * B_PER_W,), jnp.int32),
            pltpu.SemaphoreType.DMA,
        ],
        compiler_params=pltpu.CompilerParams(
            needs_layout_passes=False, skip_device_barrier=True),
    )(table_flat, pool_idx, prefix_lens)


def kernel(req_to_token, req_pool_indices_tensor, prefix_lens_tensor):
    r, c = req_to_token.shape
    table_flat = (
        req_to_token.reshape(r // SUB, SUB, c // LANE, LANE)
        .transpose(0, 2, 1, 3)
        .reshape(r * c)
    )
    return _last_loc(table_flat, req_pool_indices_tensor, prefix_lens_tensor)

# --- scband reference (transcript-rebuilt; emitter-appended) ---
"""Pipeline reference for scband-model-sglang-60533269069835 (READ-ONLY COPY).

The authoritative reference and input builder live on the scoring server;
editing this copy changes nothing except your own understanding.
"""

import jax, jax.numpy as jnp
import numpy as np


def setup_inputs(seed: int = 0) -> dict:
    key = jax.random.key(seed)
    k1, k2, k3 = jax.random.split(key, 3)
    # req_to_token maps (request slot, position) -> KV cache location
    req_to_token = jax.random.randint(k1, (4096, 32768), 0, 1000000, dtype=jnp.int32)
    req_pool_indices_tensor = jax.random.randint(k2, (4096,), 0, 4096, dtype=jnp.int32)
    prefix_lens_tensor = jax.random.randint(k3, (4096,), 0, 32768, dtype=jnp.int32)
    return {
        "req_to_token": req_to_token,
        "req_pool_indices_tensor": req_pool_indices_tensor,
        "prefix_lens_tensor": prefix_lens_tensor,
    }


def reference(req_to_token, req_pool_indices_tensor, prefix_lens_tensor):
    # Faithful translation of sglang get_last_loc_triton:
    # for each request i:
    #   if prefix_lens[i] > 0: out[i] = req_to_token[req_pool_indices[i], prefix_lens[i] - 1]
    #   else:                  out[i] = -1
    safe_prev = jnp.maximum(prefix_lens_tensor - 1, 0)
    gathered = req_to_token[req_pool_indices_tensor, safe_prev]
    out = jnp.where(
        prefix_lens_tensor > 0,
        gathered.astype(prefix_lens_tensor.dtype),
        jnp.asarray(-1, dtype=prefix_lens_tensor.dtype),
    )
    return out

if __name__ == "__main__":
    import jax
    _d = setup_inputs()
    print(jax.jit(kernel)(*tuple(_d.values())))

</pallas_src>

<mosaic_0001>
#map = affine_map<(d0, d1) -> (0)>
module attributes {stable_mosaic.version = 14 : i64} {
  func.func @_sc_body(%arg0: i32, %arg1: i32, %arg2: memref<134217728xi32, #tpu.memory_space<hbm>>, %arg3: memref<4096xi32, #tpu.memory_space<hbm>>, %arg4: memref<4096xi32, #tpu.memory_space<hbm>>, %arg5: memref<4096xi32, #tpu.memory_space<hbm>>, %arg6: memref<512xi32, #tpu.memory_space<vmem>>, %arg7: memref<!tpu.dma_semaphore, #tpu.memory_space<semaphore_mem>>) attributes {dimension_semantics = [#tpu.dimension_semantics<core_parallel>, #tpu.dimension_semantics<subcore_parallel>], iteration_bounds = array<i64: 2, 16>, scalar_prefetch = 0 : i64, scratch_operands = 2 : i64, tpu.core_type = #tpu.core_type<sc_vector_subcore>, window_params = [{transform_indices = #map}, {transform_indices = #map}, {transform_indices = #map}, {transform_indices = #map}]} {
    %mul3A = arith.constant 2 : i32
    %mul3A_0 = arith.muli %arg1, %mul3A : i32
    %add3A = arith.addi %mul3A_0, %arg0 : i32
    %mul3A_1 = arith.constant 128 : i32
    %mul3A_2 = arith.muli %add3A, %mul3A_1 : i32
    %dma_start3A = arith.constant 0 : i32
    %dma_start3A_3 = tpu.memref_slice %arg6[%dma_start3A] : memref<512xi32, #tpu.memory_space<vmem>> -> memref<128xi32, #tpu.memory_space<vmem>>
    %dma_start3A_4 = tpu.memref_slice %arg3[%mul3A_2] : memref<4096xi32, #tpu.memory_space<hbm>> -> memref<128xi32, #tpu.memory_space<hbm>>
    %dma_start3A_5 = arith.constant 0 : i32
    %dma_start3A_6 = tpu.memref_slice %arg6[%dma_start3A_5] : memref<512xi32, #tpu.memory_space<vmem>> -> memref<128xi32, #tpu.memory_space<vmem>>
    %dma_start3A_7 = tpu.memref_slice %arg3[%mul3A_2] : memref<4096xi32, #tpu.memory_space<hbm>> -> memref<128xi32, #tpu.memory_space<hbm>>
    tpu.enqueue_dma source(%dma_start3A_7 : memref<128xi32, #tpu.memory_space<hbm>>) target(%dma_start3A_6 : memref<128xi32, #tpu.memory_space<vmem>>) target_semaphore(%arg7 : memref<!tpu.dma_semaphore, #tpu.memory_space<semaphore_mem>>)
    %dma_start3A_8 = arith.constant 128 : i32
    %dma_start3A_9 = tpu.memref_slice %arg6[%dma_start3A_8] : memref<512xi32, #tpu.memory_space<vmem>> -> memref<128xi32, #tpu.memory_space<vmem>>
    %dma_start3A_10 = tpu.memref_slice %arg4[%mul3A_2] : memref<4096xi32, #tpu.memory_space<hbm>> -> memref<128xi32, #tpu.memory_space<hbm>>
    %dma_start3A_11 = arith.constant 128 : i32
    %dma_start3A_12 = tpu.memref_slice %arg6[%dma_start3A_11] : memref<512xi32, #tpu.memory_space<vmem>> -> memref<128xi32, #tpu.memory_space<vmem>>
    %dma_start3A_13 = tpu.memref_slice %arg4[%mul3A_2] : memref<4096xi32, #tpu.memory_space<hbm>> -> memref<128xi32, #tpu.memory_space<hbm>>
    tpu.enqueue_dma source(%dma_start3A_13 : memref<128xi32, #tpu.memory_space<hbm>>) target(%dma_start3A_12 : memref<128xi32, #tpu.memory_space<vmem>>) target_semaphore(%arg7 : memref<!tpu.dma_semaphore, #tpu.memory_space<semaphore_mem>>)
    %dma_wait3A = arith.constant 0 : i32
    %dma_wait3A_14 = tpu.memref_slice %arg6[%dma_wait3A] : memref<512xi32, #tpu.memory_space<vmem>> -> memref<128xi32, #tpu.memory_space<vmem>>
    %dma_wait3A_15 = tpu.memref_slice %arg3[%mul3A_2] : memref<4096xi32, #tpu.memory_space<hbm>> -> memref<128xi32, #tpu.memory_space<hbm>>
    %dma_wait3A_16 = arith.constant 0 : i32
    %dma_wait3A_17 = tpu.memref_slice %arg6[%dma_wait3A_16] : memref<512xi32, #tpu.memory_space<vmem>> -> memref<128xi32, #tpu.memory_space<vmem>>
    %dma_wait3A_18 = tpu.memref_slice %arg3[%mul3A_2] : memref<4096xi32, #tpu.memory_space<hbm>> -> memref<128xi32, #tpu.memory_space<hbm>>
    tpu.wait_dma2 semaphore(%arg7 : memref<!tpu.dma_semaphore, #tpu.memory_space<semaphore_mem>>) src(%dma_wait3A_18 : memref<128xi32, #tpu.memory_space<hbm>>) dst(%dma_wait3A_17 : memref<128xi32, #tpu.memory_space<vmem>>)
    %dma_wait3A_19 = arith.constant 128 : i32
    %dma_wait3A_20 = tpu.memref_slice %arg6[%dma_wait3A_19] : memref<512xi32, #tpu.memory_space<vmem>> -> memref<128xi32, #tpu.memory_space<vmem>>
    %dma_wait3A_21 = tpu.memref_slice %arg4[%mul3A_2] : memref<4096xi32, #tpu.memory_space<hbm>> -> memref<128xi32, #tpu.memory_space<hbm>>
    %dma_wait3A_22 = arith.constant 128 : i32
    %dma_wait3A_23 = tpu.memref_slice %arg6[%dma_wait3A_22] : memref<512xi32, #tpu.memory_space<vmem>> -> memref<128xi32, #tpu.memory_space<vmem>>
    %dma_wait3A_24 = tpu.memref_slice %arg4[%mul3A_2] : memref<4096xi32, #tpu.memory_space<hbm>> -> memref<128xi32, #tpu.memory_space<hbm>>
    tpu.wait_dma2 semaphore(%arg7 : memref<!tpu.dma_semaphore, #tpu.memory_space<semaphore_mem>>) src(%dma_wait3A_24 : memref<128xi32, #tpu.memory_space<hbm>>) dst(%dma_wait3A_23 : memref<128xi32, #tpu.memory_space<vmem>>)
    %scan3A = arith.constant 0 : i32
    %scan3A_25 = arith.constant 0 : i32
    %scan3A_26 = arith.constant 8 : i32
    %scan3A_27 = arith.addi %scan3A_25, %scan3A_26 : i32
    %scan3A_28 = arith.constant 2 : i32
    %scan3A_29 = scf.for %scan3A_50 = %scan3A_25 to %scan3A_27 step %scan3A_28 iter_args(%scan3A_51 = %scan3A) -> (i32)  : i32 {
      %mul3A_52 = arith.constant 16 : i32
      %mul3A_53 = arith.muli %scan3A_50, %mul3A_52 : i32
      %get3A = arith.constant 0 : i32
      %get3A_54 = tpu.memref_slice %arg6[%get3A] : memref<512xi32, #tpu.memory_space<vmem>> -> memref<128xi32, #tpu.memory_space<vmem>>
      %get3A_55 = arith.index_cast %mul3A_53 : i32 to index
      %get3A_56 = tpu.vector_load %get3A_54[%get3A_55] {strides = array<i32>} : memref<128xi32, #tpu.memory_space<vmem>>, vector<16xi32>,
      %get3A_57 = arith.constant 128 : i32
      %get3A_58 = tpu.memref_slice %arg6[%get3A_57] : memref<512xi32, #tpu.memory_space<vmem>> -> memref<128xi32, #tpu.memory_space<vmem>>
      %get3A_59 = arith.index_cast %mul3A_53 : i32 to index
      %get3A_60 = tpu.vector_load %get3A_58[%get3A_59] {strides = array<i32>} : memref<128xi32, #tpu.memory_space<vmem>>, vector<16xi32>,
      %sub3A = arith.constant 1 : i32
      %sub3A_61 = vector.broadcast %sub3A : i32 to vector<16xi32>
      %sub3A_62 = arith.subi %get3A_60, %sub3A_61 : vector<16xi32>
      %max3A = arith.constant 0 : i32
      %max3A_63 = vector.broadcast %max3A : i32 to vector<16xi32>
      %max3A_64 = arith.maxsi %sub3A_62, %max3A_63 : vector<16xi32>
      %shift_right_arithmetic3A = arith.constant 3 : i32
      %shift_right_arithmetic3A_65 = vector.broadcast %shift_right_arithmetic3A : i32 to vector<16xi32>
      %shift_right_arithmetic3A_66 = arith.shrsi %get3A_56, %shift_right_arithmetic3A_65 : vector<16xi32>
      %mul3A_67 = arith.constant 256 : i32
      %mul3A_68 = vector.broadcast %mul3A_67 : i32 to vector<16xi32>
      %mul3A_69 = arith.muli %shift_right_arithmetic3A_66, %mul3A_68 : vector<16xi32>
      %shift_right_arithmetic3A_70 = arith.constant 7 : i32
      %shift_right_arithmetic3A_71 = vector.broadcast %shift_right_arithmetic3A_70 : i32 to vector<16xi32>
      %shift_right_arithmetic3A_72 = arith.shrsi %max3A_64, %shift_right_arithmetic3A_71 : vector<16xi32>
      %add3A_73 = arith.addi %mul3A_69, %shift_right_arithmetic3A_72 : vector<16xi32>
      %mul3A_74 = arith.constant 1024 : i32
      %mul3A_75 = vector.broadcast %mul3A_74 : i32 to vector<16xi32>
      %mul3A_76 = arith.muli %add3A_73, %mul3A_75 : vector<16xi32>
      %and3A = arith.constant 7 : i32
      %and3A_77 = vector.broadcast %and3A : i32 to vector<16xi32>
      %and3A_78 = arith.andi %get3A_56, %and3A_77 : vector<16xi32>
      %shift_left3A = arith.constant 7 : i32
      %shift_left3A_79 = vector.broadcast %shift_left3A : i32 to vector<16xi32>
      %shift_left3A_80 = arith.shli %and3A_78, %shift_left3A_79 : vector<16xi32>
      %add3A_81 = arith.addi %mul3A_76, %shift_left3A_80 : vector<16xi32>
      %and3A_82 = arith.constant 127 : i32
      %and3A_83 = vector.broadcast %and3A_82 : i32 to vector<16xi32>
      %and3A_84 = arith.andi %max3A_64, %and3A_83 : vector<16xi32>
      %add3A_85 = arith.addi %add3A_81, %and3A_84 : vector<16xi32>
      %swap3A = arith.constant 256 : i32
      %swap3A_86 = tpu.memref_slice %arg6[%swap3A] : memref<512xi32, #tpu.memory_space<vmem>> -> memref<128xi32, #tpu.memory_space<vmem>>
      %swap3A_87 = arith.index_cast %mul3A_53 : i32 to index
      %swap3A_88 = tpu.vector_load %swap3A_86[%swap3A_87] {strides = array<i32>} : memref<128xi32, #tpu.memory_space<vmem>>, vector<16xi32>,
      tpu.vector_store %swap3A_86[%swap3A_87], %add3A_85 {strides = array<i32>} : memref<128xi32, #tpu.memory_space<vmem>>, vector<16xi32>,
      %scan3A_89 = arith.constant 0 : i32
      %scan3A_90 = arith.constant 1 : i32
      %scan3A_91 = arith.addi %scan3A_50, %scan3A_90 : i32
      %mul3A_92 = arith.constant 16 : i32
      %mul3A_93 = arith.muli %scan3A_91, %mul3A_92 : i32
      %get3A_94 = arith.constant 0 : i32
      %get3A_95 = tpu.memref_slice %arg6[%get3A_94] : memref<512xi32, #tpu.memory_space<vmem>> -> memref<128xi32, #tpu.memory_space<vmem>>
      %get3A_96 = arith.index_cast %mul3A_93 : i32 to index
      %get3A_97 = tpu.vector_load %get3A_95[%get3A_96] {strides = array<i32>} : memref<128xi32, #tpu.memory_space<vmem>>, vector<16xi32>,
      %get3A_98 = arith.constant 128 : i32
      %get3A_99 = tpu.memref_slice %arg6[%get3A_98] : memref<512xi32, #tpu.memory_space<vmem>> -> memref<128xi32, #tpu.memory_space<vmem>>
      %get3A_100 = arith.index_cast %mul3A_93 : i32 to index
      %get3A_101 = tpu.vector_load %get3A_99[%get3A_100] {strides = array<i32>} : memref<128xi32, #tpu.memory_space<vmem>>, vector<16xi32>,
      %sub3A_102 = arith.constant 1 : i32
      %sub3A_103 = vector.broadcast %sub3A_102 : i32 to vector<16xi32>
      %sub3A_104 = arith.subi %get3A_101, %sub3A_103 : vector<16xi32>
      %max3A_105 = arith.constant 0 : i32
      %max3A_106 = vector.broadcast %max3A_105 : i32 to vector<16xi32>
      %max3A_107 = arith.maxsi %sub3A_104, %max3A_106 : vector<16xi32>
      %shift_right_arithmetic3A_108 = arith.constant 3 : i32
      %shift_right_arithmetic3A_109 = vector.broadcast %shift_right_arithmetic3A_108 : i32 to vector<16xi32>
      %shift_right_arithmetic3A_110 = arith.shrsi %get3A_97, %shift_right_arithmetic3A_109 : vector<16xi32>
      %mul3A_111 = arith.constant 256 : i32
      %mul3A_112 = vector.broadcast %mul3A_111 : i32 to vector<16xi32>
      %mul3A_113 = arith.muli %shift_right_arithmetic3A_110, %mul3A_112 : vector<16xi32>
      %shift_right_arithmetic3A_114 = arith.constant 7 : i32
      %shift_right_arithmetic3A_115 = vector.broadcast %shift_right_arithmetic3A_114 : i32 to vector<16xi32>
      %shift_right_arithmetic3A_116 = arith.shrsi %max3A_107, %shift_right_arithmetic3A_115 : vector<16xi32>
      %add3A_117 = arith.addi %mul3A_113, %shift_right_arithmetic3A_116 : vector<16xi32>
      %mul3A_118 = arith.constant 1024 : i32
      %mul3A_119 = vector.broadcast %mul3A_118 : i32 to vector<16xi32>
      %mul3A_120 = arith.muli %add3A_117, %mul3A_119 : vector<16xi32>
      %and3A_121 = arith.constant 7 : i32
      %and3A_122 = vector.broadcast %and3A_121 : i32 to vector<16xi32>
      %and3A_123 = arith.andi %get3A_97, %and3A_122 : vector<16xi32>
      %shift_left3A_124 = arith.constant 7 : i32
      %shift_left3A_125 = vector.broadcast %shift_left3A_124 : i32 to vector<16xi32>
      %shift_left3A_126 = arith.shli %and3A_123, %shift_left3A_125 : vector<16xi32>
      %add3A_127 = arith.addi %mul3A_120, %shift_left3A_126 : vector<16xi32>
      %and3A_128 = arith.constant 127 : i32
      %and3A_129 = vector.broadcast %and3A_128 : i32 to vector<16xi32>
      %and3A_130 = arith.andi %max3A_107, %and3A_129 : vector<16xi32>
      %add3A_131 = arith.addi %add3A_127, %and3A_130 : vector<16xi32>
      %swap3A_132 = arith.constant 256 : i32
      %swap3A_133 = tpu.memref_slice %arg6[%swap3A_132] : memref<512xi32, #tpu.memory_space<vmem>> -> memref<128xi32, #tpu.memory_space<vmem>>
      %swap3A_134 = arith.index_cast %mul3A_93 : i32 to index
      %swap3A_135 = tpu.vector_load %swap3A_133[%swap3A_134] {strides = array<i32>} : memref<128xi32, #tpu.memory_space<vmem>>, vector<16xi32>,
      tpu.vector_store %swap3A_133[%swap3A_134], %add3A_131 {strides = array<i32>} : memref<128xi32, #tpu.memory_space<vmem>>, vector<16xi32>,
      %scan3A_136 = arith.constant 0 : i32
      scf.yield %scan3A_136 : i32
    }
    %scan3A_30 = arith.constant 8 : i32
    %dma_start3A_31 = arith.constant 384 : i32
    %dma_start3A_32 = tpu.memref_slice %arg6[%dma_start3A_31] : memref<512xi32, #tpu.memory_space<vmem>> -> memref<128xi32, #tpu.memory_space<vmem>>
    %dma_start3A_33 = arith.constant 256 : i32
    %dma_start3A_34 = tpu.memref_slice %arg6[%dma_start3A_33] : memref<512xi32, #tpu.memory_space<vmem>> -> memref<128xi32, #tpu.memory_space<vmem>>
    %dma_start3A_35 = arith.constant 0 : i32
    %dma_start3A_36 = tpu.memref_slice %arg2[%dma_start3A_35] : memref<134217728xi32, #tpu.memory_space<hbm>> -> memref<134217728xi32, #tpu.memory_space<hbm>>
    tpu.enqueue_indirect_dma source(%dma_start3A_36 : memref<134217728xi32, #tpu.memory_space<hbm>>) target(%dma_start3A_32 : memref<128xi32, #tpu.memory_space<vmem>>) offsets(%dma_start3A_34 : memref<128xi32, #tpu.memory_space<vmem>>) semaphore(%arg7 : memref<!tpu.dma_semaphore, #tpu.memory_space<semaphore_mem>>)
    %dma_wait3A_37 = arith.constant 384 : i32
    %dma_wait3A_38 = tpu.memref_slice %arg6[%dma_wait3A_37] : memref<512xi32, #tpu.memory_space<vmem>> -> memref<128xi32, #tpu.memory_space<vmem>>
    %dma_wait3A_39 = arith.constant 256 : i32
    %dma_wait3A_40 = tpu.memref_slice %arg6[%dma_wait3A_39] : memref<512xi32, #tpu.memory_space<vmem>> -> memref<128xi32, #tpu.memory_space<vmem>>
    %dma_wait3A_41 = arith.constant 0 : i32
    %dma_wait3A_42 = tpu.memref_slice %arg2[%dma_wait3A_41] : memref<134217728xi32, #tpu.memory_space<hbm>> -> memref<134217728xi32, #tpu.memory_space<hbm>>
    tpu.wait_indirect_dma semaphore(%arg7 : memref<!tpu.dma_semaphore, #tpu.memory_space<semaphore_mem>>) src(%dma_wait3A_42 : memref<134217728xi32, #tpu.memory_space<hbm>>) dst(%dma_wait3A_38 : memref<128xi32, #tpu.memory_space<vmem>>)
    %scan3A_43 = arith.constant 0 : i32
    %scan3A_44 = arith.constant 0 : i32
    %scan3A_45 = arith.constant 8 : i32
    %scan3A_46 = arith.addi %scan3A_44, %scan3A_45 : i32
    %scan3A_47 = arith.constant 2 : i32
    %scan3A_48 = scf.for %scan3A_50 = %scan3A_44 to %scan3A_46 step %scan3A_47 iter_args(%scan3A_51 = %scan3A_43) -> (i32)  : i32 {
      %mul3A_52 = arith.constant 16 : i32
      %mul3A_53 = arith.muli %scan3A_50, %mul3A_52 : i32
      %get3A = arith.constant 128 : i32
      %get3A_54 = tpu.memref_slice %arg6[%get3A] : memref<512xi32, #tpu.memory_space<vmem>> -> memref<128xi32, #tpu.memory_space<vmem>>
      %get3A_55 = arith.index_cast %mul3A_53 : i32 to index
      %get3A_56 = tpu.vector_load %get3A_54[%get3A_55] {strides = array<i32>} : memref<128xi32, #tpu.memory_space<vmem>>, vector<16xi32>,
      %gt3A = arith.constant 0 : i32
      %gt3A_57 = vector.broadcast %gt3A : i32 to vector<16xi32>
      %gt3A_58 = arith.cmpi sgt, %get3A_56, %gt3A_57 : vector<16xi32>
      %get3A_59 = arith.constant 384 : i32
      %get3A_60 = tpu.memref_slice %arg6[%get3A_59] : memref<512xi32, #tpu.memory_space<vmem>> -> memref<128xi32, #tpu.memory_space<vmem>>
      %get3A_61 = arith.index_cast %mul3A_53 : i32 to index
      %get3A_62 = tpu.vector_load %get3A_60[%get3A_61] {strides = array<i32>} : memref<128xi32, #tpu.memory_space<vmem>>, vector<16xi32>,
      %jit3A = arith.constant -1 : i32
      %broadcast_in_dim3A = vector.broadcast %jit3A : i32 to vector<16xi32>
      %select_n3A = arith.select %gt3A_58, %get3A_62, %broadcast_in_dim3A : vector<16xi1>, vector<16xi32>
      %swap3A = arith.constant 384 : i32
      %swap3A_63 = tpu.memref_slice %arg6[%swap3A] : memref<512xi32, #tpu.memory_space<vmem>> -> memref<128xi32, #tpu.memory_space<vmem>>
      %swap3A_64 = arith.index_cast %mul3A_53 : i32 to index
      %swap3A_65 = tpu.vector_load %swap3A_63[%swap3A_64] {strides = array<i32>} : memref<128xi32, #tpu.memory_space<vmem>>, vector<16xi32>,
      tpu.vector_store %swap3A_63[%swap3A_64], %select_n3A {strides = array<i32>} : memref<128xi32, #tpu.memory_space<vmem>>, vector<16xi32>,
      %scan3A_66 = arith.constant 0 : i32
      %scan3A_67 = arith.constant 1 : i32
      %scan3A_68 = arith.addi %scan3A_50, %scan3A_67 : i32
      %mul3A_69 = arith.constant 16 : i32
      %mul3A_70 = arith.muli %scan3A_68, %mul3A_69 : i32
      %get3A_71 = arith.constant 128 : i32
      %get3A_72 = tpu.memref_slice %arg6[%get3A_71] : memref<512xi32, #tpu.memory_space<vmem>> -> memref<128xi32, #tpu.memory_space<vmem>>
      %get3A_73 = arith.index_cast %mul3A_70 : i32 to index
      %get3A_74 = tpu.vector_load %get3A_72[%get3A_73] {strides = array<i32>} : memref<128xi32, #tpu.memory_space<vmem>>, vector<16xi32>,
      %gt3A_75 = arith.constant 0 : i32
      %gt3A_76 = vector.broadcast %gt3A_75 : i32 to vector<16xi32>
      %gt3A_77 = arith.cmpi sgt, %get3A_74, %gt3A_76 : vector<16xi32>
      %get3A_78 = arith.constant 384 : i32
      %get3A_79 = tpu.memref_slice %arg6[%get3A_78] : memref<512xi32, #tpu.memory_space<vmem>> -> memref<128xi32, #tpu.memory_space<vmem>>
      %get3A_80 = arith.index_cast %mul3A_70 : i32 to index
      %get3A_81 = tpu.vector_load %get3A_79[%get3A_80] {strides = array<i32>} : memref<128xi32, #tpu.memory_space<vmem>>, vector<16xi32>,
      %jit3A_82 = arith.constant -1 : i32
      %broadcast_in_dim3A_83 = vector.broadcast %jit3A_82 : i32 to vector<16xi32>
      %select_n3A_84 = arith.select %gt3A_77, %get3A_81, %broadcast_in_dim3A_83 : vector<16xi1>, vector<16xi32>
      %swap3A_85 = arith.constant 384 : i32
      %swap3A_86 = tpu.memref_slice %arg6[%swap3A_85] : memref<512xi32, #tpu.memory_space<vmem>> -> memref<128xi32, #tpu.memory_space<vmem>>
      %swap3A_87 = arith.index_cast %mul3A_70 : i32 to index
      %swap3A_88 = tpu.vector_load %swap3A_86[%swap3A_87] {strides = array<i32>} : memref<128xi32, #tpu.memory_space<vmem>>, vector<16xi32>,
      tpu.vector_store %swap3A_86[%swap3A_87], %select_n3A_84 {strides = array<i32>} : memref<128xi32, #tpu.memory_space<vmem>>, vector<16xi32>,
      %scan3A_89 = arith.constant 0 : i32
      scf.yield %scan3A_89 : i32
    }
    %scan3A_49 = arith.constant 8 : i32
    "tpu.region"() ({
      %run_scoped3A = tpu.sem_alloc : memref<!tpu.dma_semaphore, #tpu.memory_space<semaphore_mem>>
      %dma_start3A_50 = arith.constant 384 : i32
      %dma_start3A_51 = tpu.memref_slice %arg6[%dma_start3A_50] : memref<512xi32, #tpu.memory_space<vmem>> -> memref<128xi32, #tpu.memory_space<vmem>>
      %dma_start3A_52 = tpu.memref_slice %arg5[%mul3A_2] : memref<4096xi32, #tpu.memory_space<hbm>> -> memref<128xi32, #tpu.memory_space<hbm>>
      %dma_start3A_53 = tpu.memref_slice %arg5[%mul3A_2] : memref<4096xi32, #tpu.memory_space<hbm>> -> memref<128xi32, #tpu.memory_space<hbm>>
      %dma_start3A_54 = arith.constant 384 : i32
      %dma_start3A_55 = tpu.memref_slice %arg6[%dma_start3A_54] : memref<512xi32, #tpu.memory_space<vmem>> -> memref<128xi32, #tpu.memory_space<vmem>>
      tpu.enqueue_dma source(%dma_start3A_55 : memref<128xi32, #tpu.memory_space<vmem>>) target(%dma_start3A_53 : memref<128xi32, #tpu.memory_space<hbm>>) target_semaphore(%run_scoped3A : memref<!tpu.dma_semaphore, #tpu.memory_space<semaphore_mem>>)
      %dma_wait3A_56 = arith.constant 384 : i32
      %dma_wait3A_57 = tpu.memref_slice %arg6[%dma_wait3A_56] : memref<512xi32, #tpu.memory_space<vmem>> -> memref<128xi32, #tpu.memory_space<vmem>>
      %dma_wait3A_58 = tpu.memref_slice %arg5[%mul3A_2] : memref<4096xi32, #tpu.memory_space<hbm>> -> memref<128xi32, #tpu.memory_space<hbm>>
      %dma_wait3A_59 = tpu.memref_slice %arg5[%mul3A_2] : memref<4096xi32, #tpu.memory_space<hbm>> -> memref<128xi32, #tpu.memory_space<hbm>>
      %dma_wait3A_60 = arith.constant 384 : i32
      %dma_wait3A_61 = tpu.memref_slice %arg6[%dma_wait3A_60] : memref<512xi32, #tpu.memory_space<vmem>> -> memref<128xi32, #tpu.memory_space<vmem>>
      tpu.wait_dma2 semaphore(%run_scoped3A : memref<!tpu.dma_semaphore, #tpu.memory_space<semaphore_mem>>) src(%dma_wait3A_61 : memref<128xi32, #tpu.memory_space<vmem>>) dst(%dma_wait3A_59 : memref<128xi32, #tpu.memory_space<hbm>>)
      tpu.yield
    }) : () -> ()
    return
  }
}

</mosaic_0001>

<sc_bundles>
// kernel: _last_loc.3.cloned.1.call-start
scs
__scs_entry_jumppad:
0x0: {  	(pc) =	sbr.rel $0x88, $3  }
0x1: {  	(tag) =	ssettag $0x0;
	lr =	simm.s32 $0x1  }
0x2: {  	[smem:$0x3F9E] =	sst lr;
	_ =	strace $0xD0000000  }
0x3: {  	_ = 	snop  }
0x4: {  	_ = 	snop  }
0x5: {  	_ = 	snop  }
0x6: {  	_ = 	snop  }
0x7: {  	_ = 	snop  }
__scs_overlays_trampoline_lowered:
0x8: {  	[smem:$0x3FAD] =	sst s0  }
0x9: {  	[smem:$0x3FAE] =	sst s1  }
0xa: {  	[smem:$0x3FAF] =	sst s2  }
0xb: {  	[smem:$0x3FB0] =	sst s3  }
0xc: {  	[smem:$0x3FB1] =	sst s4  }
0xd: {  	[smem:$0x3FB2] =	sst s5  }
0xe: {  	[smem:$0x3FB3] =	sst s6  }
0xf: {  	[smem:$0x3FB4] =	sst s7  }
0x10: {  	[smem:$0x3FB5] =	sst s8  }
0x11: {  	[smem:$0x3FB6] =	sst s9;
	s0 =	simm.s32 @!p0 $0x0  }
0x12: {  	s1 =	sld [smem:$0x3F9C];
	s0 =	simm.s32 @p0 $0x1  }
0x13: {  	[smem:$0x3FB7] =	sst s0;
	s0 =	simm.s32 @!p1 $0x0  }
0x14: {  	s2 =	sld [smem:$0x3F9B];
	s0 =	simm.s32 @p1 $0x1  }
0x15: {  	[smem:$0x3FB8] =	sst s0;
	s0 =	simm.s32 @!p2 $0x0  }
0x16: {  	s3 =	sld [smem:$0x3FDB];
	s0 =	simm.s32 @p2 $0x1  }
0x17: {  	s4 =	simm.s32 $0x1BF5;
	[smem:$0x3FBA] =	sst s0  }
0x18: {  	s0 =	sld [smem:$0x3F9D];
	_ =	swait.ge [sflag:s4], $0x0  }
0x19: {  	s7 =	sld [smem:$0x3F9E]  }
0x1a: {  	s8 =	sadd.s32 $0xFFFFE003, lr  }
0x1b: {  	s9 =	sadd.s32 $0xFFFFFEF7, lr;
	s5 =	simm.s32 $0xFFFFFFFF;
	p2 =	slt.u32 s8, $0xFFFFF086  }
0x1c: {  	p1 =	slt.u32 s9, $0xF7A;
	s5 =	simm.s32 @!p2 $0x0  }
0x1d: {  	s5 =	simm.s32 @p1 $0x1;
	p0 =	seq.s32 s7, s2  }
0x1e: {  	s7 =	smul.u32 @!p0 $0xF7A, s2;
	p2 =	seq.s32 @!p0 s5, $0x0  }
0x1f: {  	s9 =	smul.u32 $0xF7A, s1;
	s8 =	simm.s32 @!p0 $0x1BF5;
	p2 =	por !p2, p0  }
0x20: {  	[sflag:s8] =	ssyncset.s32 @!p0 $0xFFFFF086;
	s6 =	sadd.s32 @!p0 s3, s7;
	s7 =	simm.s32 @!p0 $0x108  }
0x21: {  	s3 =	sadd.s32 s3, s9;
	s6 =	sadd.s32 @!p0 $0x88, s6;
	s7 =	simm.s32 @p2 $0x1082  }
0x22: {  	[simem:s7], [sflag:s8] =	dma.local @!p0 [hbm:s6], $0xF7A  }
0x23: {  	s9 =	sor.u32 $0xD0000000, s2;
	s6 =	simm.s32 $0x108;
	_ =	swait.ge @!p0 [sflag:s8], $0x0  }
0x24: {  	s3 =	sadd.s32 $0x88, s3;
	s6 =	simm.s32 @!p1 $0x1082;
	[sflag:s4] =	ssyncset.s32 $0xFFFFF086  }
0x25: {  	[simem:s6], [sflag:s4] =	dma.local [hbm:s3], $0xF7A  }
0x26: {  	[smem:$0x3F9E] =	sst s1;
	(tag) =	ssettag s2;
	_ =	strace s9  }
0x27: {  	s1 =	sld [smem:$0x3FAE]  }
0x28: {  	s2 =	sld [smem:$0x3FAF]  }
0x29: {  	s4 =	sld [smem:$0x3FB1]  }
0x2a: {  	p0 =	seq.s32 s5, $0x0;
	s5 =	sld [smem:$0x3FB2]  }
0x2b: {  	s6 =	sld [smem:$0x3FB3]  }
0x2c: {  	s7 =	sld [smem:$0x3FB4]  }
0x2d: {  	s3 =	simm.s32 $0x108;
	s8 =	sld [smem:$0x3FB5]  }
0x2e: {  	s3 =	simm.s32 @!p0 $0x1082;
	s9 =	sld [smem:$0x3FB6]  }
0x2f: {  	lr =	sadd.s32 s0, s3;
	s0 =	sld [smem:$0x3FAD]  }
0x30: {  	s3 =	sld [smem:$0x3FB0]  }
0x31: {  	[smem:$0x3FB9] =	sst s10  }
0x32: {  	s10 =	sld [smem:$0x3FB7];
	_ =	sdelay $0x3  }
0x33: {  	p0 =	seq.s32 s10, $0x1;
	s10 =	sld [smem:$0x3FB9];
	_ =	sdelay $0x3  }
0x34: {  	[smem:$0x3FB9] =	sst s10  }
0x35: {  	s10 =	sld [smem:$0x3FB8];
	_ =	sdelay $0x3  }
0x36: {  	p1 =	seq.s32 s10, $0x1;
	s10 =	sld [smem:$0x3FB9];
	_ =	sdelay $0x3  }
0x37: {  	[smem:$0x3FB9] =	sst s10  }
0x38: {  	s10 =	sld [smem:$0x3FBA]  }
0x39: {  	_ = 	snop;
	(pc) =	sbr.ind lr, $3  }
0x3a: {  	_ = 	snop  }
0x3b: {  	_ = 	snop  }
0x3c: {  	p2 =	seq.s32 s10, $0x1;
	s10 =	sld [smem:$0x3FB9]  }
0x3d: {  	_ =	shalt  }
0x3e: {  	_ =	shalt  }
0x3f: {  	_ =	shalt  }
0x40: {  	_ =	shalt  }
0x41: {  	_ =	shalt  }
0x42: {  	_ =	shalt  }
0x43: {  	_ =	shalt  }
0x44: {  	_ =	shalt  }
0x45: {  	_ =	shalt  }
0x46: {  	_ =	shalt  }
0x47: {  	_ =	shalt  }
0x48: {  	_ =	shalt  }
0x49: {  	_ =	shalt  }
0x4a: {  	_ =	shalt  }
0x4b: {  	_ =	shalt  }
0x4c: {  	_ =	shalt  }
0x4d: {  	_ =	shalt  }
0x4e: {  	_ =	shalt  }
0x4f: {  	_ =	shalt  }
0x50: {  	_ =	shalt  }
0x51: {  	_ =	shalt  }
0x52: {  	_ =	shalt  }
0x53: {  	_ =	shalt  }
0x54: {  	_ =	shalt  }
0x55: {  	_ =	shalt  }
0x56: {  	_ =	shalt  }
0x57: {  	_ =	shalt  }
0x58: {  	_ =	shalt  }
0x59: {  	_ =	shalt  }
0x5a: {  	_ =	shalt  }
0x5b: {  	_ =	shalt  }
0x5c: {  	_ =	shalt  }
0x5d: {  	_ =	shalt  }
0x5e: {  	_ =	shalt  }
0x5f: {  	_ =	shalt  }
0x60: {  	_ =	shalt  }
0x61: {  	_ =	shalt  }
0x62: {  	_ =	shalt  }
0x63: {  	_ =	shalt  }
0x64: {  	_ =	shalt  }
0x65: {  	_ =	shalt  }
0x66: {  	_ =	shalt  }
0x67: {  	_ =	shalt  }
0x68: {  	_ =	shalt  }
0x69: {  	_ =	shalt  }
0x6a: {  	_ =	shalt  }
0x6b: {  	_ =	shalt  }
0x6c: {  	_ =	shalt  }
0x6d: {  	_ =	shalt  }
0x6e: {  	_ =	shalt  }
0x6f: {  	_ =	shalt  }
0x70: {  	_ =	shalt  }
0x71: {  	_ =	shalt  }
0x72: {  	_ =	shalt  }
0x73: {  	_ =	shalt  }
0x74: {  	_ =	shalt  }
0x75: {  	_ =	shalt  }
0x76: {  	_ =	shalt  }
0x77: {  	_ =	shalt  }
0x78: {  	_ =	shalt  }
0x79: {  	_ =	shalt  }
0x7a: {  	_ =	shalt  }
0x7b: {  	_ =	shalt  }
0x7c: {  	_ =	shalt  }
0x7d: {  	_ =	shalt  }
0x7e: {  	_ =	shalt  }
0x7f: {  	_ =	shalt  }
0x80: {  	_ =	shalt  }
0x81: {  	_ =	shalt  }
0x82: {  	_ =	shalt  }
0x83: {  	_ =	shalt  }
0x84: {  	_ =	shalt  }
0x85: {  	_ =	shalt  }
0x86: {  	_ =	shalt  }
0x87: {  	_ =	shalt  }
.Lfunc_end0:
.L_simem_size_0:
called_computation_lowered:
.L_overlay_start_0:
0x88: {  	s2 =	sld [smem:$0x3FD9]  }
0x89: {  	s3 =	sld [smem:$0x3FFE];
	_ =	sdelay $0x1  }
0x8a: {  	s1 =	srdreg.scid  }
0x8b: {  	s0 =	sand.u32 $0x1, s1  }
0x8c: {  	s18 =	sshll.u32 s0, $0xA;
	s2 =	sadd.s32 s3, s2  }
0x8d: {  	s2 =	sadd.s32 s2, s18  }
0x8e: {  	[smem:$0x3FC5] =	sst s2  }
0x8f: {  	_ = 	snop  }
0x90: {  	s2 =	sld [smem:$0x3FC9]  }
0x91: {  	s19 =	sld [smem:$0x3FC8]  }
0x92: {  	s4 =	sld [smem:$0x3FC7]  }
0x93: {  	s5 =	sld [smem:$0x3FD0];
	(tm) =	ssettm $0x1  }
0x94: {  	s6 =	sld [smem:$0x3FFB];
	_ =	sdelay $0x3  }
0x95: {  	_ =	strace s6  }
0x96: {  	s6 =	sld [smem:$0x3FFC];
	_ =	sdelay $0x3  }
0x97: {  	_ =	strace s6  }
0x98: {  	s6 =	sld [smem:$0x3FFD];
	_ =	sdelay $0x3  }
0x99: {  	_ =	strace s6  }
0x9a: {  	_ =	strace $0x8FFFFFFF  }
0x9b: {  	s20 =	sld [smem:$0x3FDB];
	_ =	sdelay $0x1  }
0x9c: {  	s7 =	simm.s32 $_scs_section_size  }
0x9d: {  	s8 =	simm.s32 $_size__tile_overlayer_lowered;
	s9 =	simm.s32 $_tile_overlayer_lowered  }
0x9e: {  	s23 =	simm.s32 $0x1BFF;
	s22 =	sshll.u32 s9, $0x1;
	s6 =	sadd.s32 s7, s20  }
0x9f: {  	s10 =	simm.s32 $0x0;
	s21 =	sshll.u32 s8, $0x1;
	s8 =	sadd.s32 s22, s6  }
0xa0: {  	[timem:s10], [sflag:s23] =	dma.local [hbm:s8], s21  }
0xa1: {  	_ =	swait.ge [sflag:s23], s21  }
0xa2: {  	s7 =	ssub.s32 $0x0, s21;
	[sflag:s23] =	ssyncset.done $0x0  }
0xa3: {  	[sflag:s23] =	ssyncadd.s32 s7;
	_ =	sdelay $0x1  }
0xa4: {  	s24 =	simm.s32 $0x1B8B  }
0xa5: {  	_ =	swait.ge [sflag:s24], $0x1  }
0xa6: {  	[sflag:s24] =	ssyncset.done $0x0  }
0xa7: {  	s25 =	simm.s32 $0x1B8E;
	[sflag:s24] =	ssyncadd.s32 $0xFFFFFFFF  }
0xa8: {  	s26 =	simm.s32 $execute0_lowered;
	[smem:$0x3FD2] =	sst s25  }
0xa9: {  	s7 =	sshll.u32 s26, $0x1;
	_ =	strace $0x80000046;
	[dreg:$0x1] =	wrdreg $0xFFFFFFFF  }
0xaa: {  	s28 =	simm.s32 $_size_execute0_lowered;
	s6 =	sadd.s32 s6, s7;
	[dreg:$0x0] =	wrdreg $0x0  }
0xab: {  	s7 =	sshll.u32 s28, $0x1;
	[dreg:$0x2] =	wrdreg s6  }
0xac: {  	[dreg:$0x3] =	wrdreg s7  }
0xad: {  	[dreg:$0x4] =	wrdreg $0xC0  }
0xae: {  	_ =	task [dreg:s10], $0x5FFFF  }
0xaf: {  	[dreg:$0x1] =	wrdreg $0xFFFFFFFF  }
0xb0: {  	[dreg:$0x0] =	wrdreg $0x60  }
0xb1: {  	[dreg:$0x2] =	wrdreg s2  }
0xb2: {  	[dreg:$0x3] =	wrdreg s19  }
0xb3: {  	[dreg:$0x4] =	wrdreg s4  }
0xb4: {  	[dreg:$0x5] =	wrdreg s5  }
0xb5: {  	[dreg:$0x6] =	wrdreg $0x9  }
0xb6: {  	_ =	task.clear_ibuf [dreg:s10], $0x7FFFF;
	_ =	strace $0x90000046  }
0xb7: {  	s29 =	simm.s32 $0x9;
	_ =	strace $0x80000048  }
0xb8: {  	_ =	swait.ge [sflag:s29], $0x1  }
0xb9: {  	[sflag:s29] =	ssyncadd.s32 $0xFFFFFFFF  }
0xba: {  	_ =	strace $0x90000048  }
0xbb: {  	_ =	sfence  }
0xbc: {  	s30 =	sld [smem:$0x0];
	_ =	sdelay $0x2  }
0xbd: {  	s31 =	sshll.u32 s1, $0xD;
	s1 =	sshrl.u32 s1, $0x2  }
0xbe: {  	s3 =	sand.u32 $0x4000, s31;
	s1 =	sadd.s32 s1, s30  }
0xbf: {  	s0 =	sor.u32 s3, s0;
	s1 =	sshll.u32 s1, $0x11  }
0xc0: {  	s0 =	sor.u32 s1, s0  }
0xc1: {  	s0 =	sadd.s32 $0x8F2B, s0  }
0xc2: {  	[sflag:s0] =	ssyncadd.remote.s32 $0x1  }
0xc3: {  	_ =	sfence.sel $0xFFFF  }
0xc4: {  	[dreg:$0x0] =	wrdreg $0xFFFFFFFF;
	(pc) =	sbr.abs _section_cstart, $3  }
0xc5: {  	[dreg:$0x1] =	wrdreg $0xFFFFFFFF  }
0xc6: {  	_ =	task.clear_ibuf [dreg:s10], $0x2FFFF;
	_ =	strace $0x9FFFFFFF  }
0xc7: {  	(tm) =	ssettm $0x7FFFFFFF  }
tec
execute0_lowered:
.L_overlay_start_1:
0x0: {  	(tag) =	ssettag $0x1  }
0x1: {  	s1 =	rddreg [dreg:$0x0]  }
0x2: {  	s4 =	rddreg [dreg:$0x1]  }
0x3: {  	s5 =	rddreg [dreg:$0x2]  }
0x4: {  	s6 =	rddreg [dreg:$0x3];
	s2 =	srdreg.scid  }
0x5: {  	s0 =	rddreg [dreg:$0x4];
	s3 =	simm.s32 $0x0;
	s11 =	simm.s32 $0x180  }
0x6: {  	s12 =	simm.s32 $0x2;
	s7 =	sand.u32 $0x1, s2;
	s2 =	stileid.u32  }
0x7: {  	[smem:$0x7FF] =	sst s3;
	s8 =	ssub.s32 $0x2, s7;
	s10 =	sshll.u32 s2, $0x5  }
0x8: {  	s7 =	sshll.u32 s7, $0x4;
	_ =	strace $0x80000047;
	s9 =	sshrl.u32 s8, $0x1  }
0x9: {  	s7 =	sor.u32 s7, s10;
	s10 =	simm.s32 $0x100;
	s8 =	ssub.s32 s8, s9  }
0xa: {  	s4 =	sadd.s32 s4, s7;
	s5 =	sadd.s32 s5, s7;
	s6 =	sadd.s32 s6, s7  }
0xb: {  	s9 =	simm.s32 $0x1;
	s7 =	smax.u32 s8, $0x1;
	s8 =	simm.s32 $0x80  }
.LBB2_1:
0xc: {  	[tilespmem:s3], [sflag:$0x1] =	stream.linear.gather [hbm4b:s4+s3], $0x80, $0x38;
	[tilespmem:$0x200] =	vst v63  }
0xd: {  	_ = 	snop  }
0xe: {  	[tilespmem:s8], [sflag:$0x1] =	stream.linear.gather [hbm4b:s5+s3], $0x80, $0x38;
	[tilespmem:$0x200] =	vst v63  }
0xf: {  	_ =	swait.ge [sflag:s9], $0x80  }
0x10: {  	[sflag:s9] =	ssyncset.done $0x0  }
0x11: {  	[sflag:s9] =	ssyncadd.s32 $0xFFFFFF80  }
0x12: {  	_ =	swait.ge [sflag:s9], $0x80  }
0x13: {  	[sflag:s9] =	ssyncset.done $0x0  }
0x14: {  	[sflag:s9] =	ssyncadd.s32 $0xFFFFFF80  }
0x15: {  	v0 =	vld [tilespmem:$0x80]  }
0x16: {  	v1 =	vld [tilespmem:$0x0]  }
0x17: {  	v2 =	vld [tilespmem:$0x90]  }
0x18: {  	v4 =	vld [tilespmem:$0x10]  }
0x19: {  	v50 =	vld [tilespmem:$0x20]  }
0x1a: {  	v7 =	vld [tilespmem:$0xB0]  }
0x1b: {  	v53 =	vld [tilespmem:$0x30]  }
0x1c: {  	v58 =	vld [tilespmem:$0xC0]  }
0x1d: {  	v9 =	vld [tilespmem:$0x40]  }
0x1e: {  	v63 =	vld [tilespmem:$0x50]  }
0x1f: {  	v10 =	vld [tilespmem:$0xE0]  }
0x20: {  	v19 =	vld [tilespmem:$0x60]  }
0x21: {  	v12 =	vld [tilespmem:$0xF0];
	v0 =	vadd.s32 $0xFFFFFFFF, v0  }
0x22: {  	v24 =	vld [tilespmem:$0x70];
	v3 =	vshll.u32 v1, $0x5;
	v1 =	vshll.u32 v1, $0x7;
	v2 =	vadd.s32 $0xFFFFFFFF, v2  }
0x23: {  	v6 =	vshll.u32 v4, $0x5;
	v4 =	vshll.u32 v4, $0x7;
	v55 =	vshll.u32 v50, $0x5  }
0x24: {  	v57 =	vadd.s32 $0xFFFFFFFF, v7;
	v59 =	vshll.u32 v53, $0x5;
	v7 =	vadd.s32 $0xFFFFFFFF, v58  }
0x25: {  	v15 =	vshll.u32 v9, $0x5;
	v18 =	vshll.u32 v9, $0x7;
	v21 =	vshll.u32 v63, $0x5  }
0x26: {  	v23 =	vadd.s32 $0xFFFFFFFF, v10;
	v25 =	vshll.u32 v19, $0x5;
	v28 =	vadd.s32 $0xFFFFFFFF, v12  }
0x27: {  	v31 =	vshll.u32 v19, $0x7;
	v33 =	vshll.u32 v24, $0x5;
	v36 =	vshll.u32 v24, $0x7  }
0x28: {  	vm0 =	vgt.s32 v0, $0x0;
	v3 =	vand.u32 $0x3FFF00, v3;
	v1 =	vand.u32 $0x380, v1  }
0x29: {  	vm13 =	vgt.s32 v2, $0x0;
	v51 =	vand.u32 $0x3FFF00, v6;
	v4 =	vand.u32 $0x380, v4  }
0x2a: {  	vm15 =	vgt.s32 v57, $0x0;
	v60 =	vand.u32 $0x3FFF00, v59;
	v6 =	vshll.u32 v53, $0x7  }
0x2b: {  	vm4 =	vgt.s32 v7, $0x0;
	v16 =	vand.u32 $0x3FFF00, v15;
	vm6 =	vgt.s32 v23, $0x0  }
0x2c: {  	v49 =	vld [tilespmem:$0xA0];
	v26 =	vand.u32 $0x3FFF00, v25;
	vm7 =	vgt.s32 v28, $0x0;
	v34 =	vand.u32 $0x3FFF00, v33  }
0x2d: {  	v0 =	vnsel vm0, $0x0, v0;
	v2 =	vnsel vm13, $0x0, v2;
	v6 =	vand.u32 $0x380, v6  }
0x2e: {  	v14 =	vnsel vm4, $0x0, v7;
	v7 =	vand.u32 $0x380, v18;
	v32 =	vnsel vm7, $0x0, v28  }
0x2f: {  	v5 =	vshrl.u32 v0, $0x7;
	v0 =	vand.u32 $0x7F, v0;
	v52 =	vshrl.u32 v2, $0x7  }
0x30: {  	v2 =	vand.u32 $0x7F, v2;
	v17 =	vshrl.u32 v14, $0x7;
	v3 =	vadd.s32 v3, v5  }
0x31: {  	v62 =	vld [tilespmem:$0xD0];
	v35 =	vshrl.u32 v32, $0x7;
	v5 =	vadd.s32 $0xFFFFFFFF, v49;
	v3 =	vshll.u32 v3, $0xA  }
0x32: {  	v40 =	vand.u32 $0x7F, v32;
	vm14 =	vgt.s32 v5, $0x0;
	v1 =	vor.u32 v1, v3  }
0x33: {  	v54 =	vnsel vm14, $0x0, v5;
	v5 =	vand.u32 $0x3FFF00, v55;
	v3 =	vshll.u32 v50, $0x7  }
0x34: {  	v0 =	vor.u32 v0, v1;
	v1 =	vadd.s32 v51, v52;
	v8 =	vshrl.u32 v54, $0x7  }
0x35: {  	v3 =	vand.u32 $0x380, v3;
	v1 =	vshll.u32 v1, $0xA;
	v56 =	vadd.s32 v5, v8  }
0x36: {  	v5 =	vnsel vm15, $0x0, v57;
	v8 =	vadd.s32 $0xFFFFFFFF, v62;
	v1 =	vor.u32 v4, v1  }
0x37: {  	v61 =	vshrl.u32 v5, $0x7;
	v4 =	vand.u32 $0x7F, v54;
	v5 =	vand.u32 $0x7F, v5  }
0x38: {  	vm5 =	vgt.s32 v8, $0x0;
	v1 =	vor.u32 v2, v1;
	v2 =	vshll.u32 v56, $0xA  }
0x39: {  	v20 =	vnsel vm5, $0x0, v8;
	v8 =	vand.u32 $0x3FFF00, v21;
	v2 =	vor.u32 v3, v2  }
0x3a: {  	v3 =	vadd.s32 v60, v61;
	v11 =	vshrl.u32 v20, $0x7;
	[tilespmem:$0x110] =	vst v1;
	v1 =	vand.u32 $0x380, v31  }
0x3b: {  	v3 =	vshll.u32 v3, $0xA;
	v2 =	vor.u32 v4, v2;
	v22 =	vadd.s32 v8, v11  }
0x3c: {  	v4 =	vshll.u32 v63, $0x7;
	v8 =	vnsel vm6, $0x0, v23;
	v3 =	vor.u32 v6, v3  }
0x3d: {  	v6 =	vand.u32 $0x7F, v14;
	v3 =	vor.u32 v5, v3;
	v5 =	vadd.s32 v16, v17  }
0x3e: {  	v4 =	vand.u32 $0x380, v4;
	[tilespmem:$0x120] =	vst v2;
	v2 =	vadd.s32 v34, v35;
	v5 =	vshll.u32 v5, $0xA  }
0x3f: {  	v27 =	vshrl.u32 v8, $0x7;
	v2 =	vshll.u32 v2, $0xA;
	v5 =	vor.u32 v7, v5  }
0x40: {  	[tilespmem:$0x130] =	vst v3;
	v3 =	vand.u32 $0x380, v36;
	v5 =	vor.u32 v6, v5;
	v6 =	vshll.u32 v22, $0xA  }
0x41: {  	[tilespmem:$0x100] =	vst v0;
	v39 =	vor.u32 v3, v2;
	v4 =	vor.u32 v4, v6;
	v6 =	vadd.s32 v26, v27  }
0x42: {  	v7 =	vand.u32 $0x7F, v20;
	v41 =	vor.u32 v40, v39;
	[tilespmem:$0x140] =	vst v5;
	v30 =	vshll.u32 v6, $0xA  }
0x43: {  	v37 =	vand.u32 $0x7F, v8;
	[tilespmem:$0x170] =	vst v41;
	v29 =	vor.u32 v7, v4;
	v1 =	vor.u32 v1, v30  }
0x44: {  	[tilespmem:$0x150] =	vst v29;
	v38 =	vor.u32 v37, v1  }
0x45: {  	[tilespmem:$0x160] =	vst v38  }
0x46: {  	[tilespmem:s11], [sflag:$0x1] =	stream.indirect.gather [hbm4b:s1+s8], $0x1, s10, s8, $0xb8;
	[tilespmem:$0x200] =	vst v63  }
0x47: {  	_ =	swait.ge [sflag:s9], $0x80  }
0x48: {  	[sflag:s9] =	ssyncset.done $0x0  }
0x49: {  	[sflag:s9] =	ssyncadd.s32 $0xFFFFFF80  }
0x4a: {  	v42 =	vld [tilespmem:$0x80]  }
0x4b: {  	v43 =	vld [tilespmem:$0x180]  }
0x4c: {  	v44 =	vld [tilespmem:$0x90]  }
0x4d: {  	v45 =	vld [tilespmem:$0x190]  }
0x4e: {  	v46 =	vld [tilespmem:$0xA0]  }
0x4f: {  	v47 =	vld [tilespmem:$0x1A0]  }
0x50: {  	v48 =	vld [tilespmem:$0xB0]  }
0x51: {  	v49 =	vld [tilespmem:$0x1B0]  }
0x52: {  	v50 =	vld [tilespmem:$0xC0]  }
0x53: {  	v51 =	vld [tilespmem:$0x1C0]  }
0x54: {  	v52 =	vld [tilespmem:$0xD0]  }
0x55: {  	v53 =	vld [tilespmem:$0x1D0]  }
0x56: {  	v54 =	vld [tilespmem:$0xE0];
	vm8 =	vgt.s32 v42, $0x0  }
0x57: {  	v55 =	vld [tilespmem:$0x1E0];
	vm9 =	vgt.s32 v44, $0x0;
	v1 =	vnsel vm8, $0xFFFFFFFF, v43  }
0x58: {  	v57 =	vld [tilespmem:$0xF0];
	vm10 =	vgt.s32 v46, $0x0;
	v56 =	vnsel vm9, $0xFFFFFFFF, v45;
	[tilespmem:$0x180] =	vst v1  }
0x59: {  	v59 =	vld [tilespmem:$0x1F0];
	vm11 =	vgt.s32 v48, $0x0;
	v58 =	vnsel vm10, $0xFFFFFFFF, v47;
	[tilespmem:$0x190] =	vst v56  }
0x5a: {  	vm12 =	vgt.s32 v50, $0x0;
	v60 =	vnsel vm11, $0xFFFFFFFF, v49;
	[tilespmem:$0x1A0] =	vst v58  }
0x5b: {  	vm13 =	vgt.s32 v52, $0x0;
	v61 =	vnsel vm12, $0xFFFFFFFF, v51;
	[tilespmem:$0x1B0] =	vst v60  }
0x5c: {  	vm14 =	vgt.s32 v54, $0x0;
	v62 =	vnsel vm13, $0xFFFFFFFF, v53;
	[tilespmem:$0x1C0] =	vst v61  }
0x5d: {  	vm15 =	vgt.s32 v57, $0x0;
	v0 =	vnsel vm14, $0xFFFFFFFF, v55;
	[tilespmem:$0x1D0] =	vst v62  }
0x5e: {  	p0 =	sne.s32 s7, $0x1;
	v63 =	vnsel vm15, $0xFFFFFFFF, v59;
	[tilespmem:$0x1E0] =	vst v0  }
.Ltmp0:
0x5f: {  	[tilespmem:$0x1F0] =	vst v63;
	(pc) =	sbr.rel @p0 .LBB2_1-.Ltmp0, $4  }
0x60: {  	[hbm4b:s6+s3] =	stream.linear.scatter [tilespmem:s11], [sflag:$0x2], $0x80, $0x38;
	[tilespmem:$0x200] =	vst v63  }
0x61: {  	_ =	swait.ge [sflag:s12], $0x80  }
0x62: {  	[sflag:s12] =	ssyncset.done $0x0  }
0x63: {  	s7 =	sadd.s32 $0xFFFFFFFF, s7;
	[sflag:s12] =	ssyncadd.s32 $0xFFFFFF80  }
0x64: {  	_ =	sfence.sel $0x180000  }
0x65: {  	[bflag:$0x0] =	sbarrier.arrive $0xFFFF  }
0x66: {  	p0 =	sne.s32 s2, $0x0;
	_ =	strace $0x90000047  }
0x67: {  	s0 =	sadd.s32 @!p0 $0x100000, s0;
	[bflag:$0x2] =	sbarrier.arrive $0xFFFF  }
0x68: {  	[sflag:s0] =	ssyncadd.tile.s32 @!p0 $0x1;
	_ =	shalt  }
.Lfunc_end2:
_tile_overlayer_lowered:
.L_overlay_start_2:
0x69: {  	(tag) =	ssettag $0x2  }
0x6a: {  	s0 =	rddreg [dreg:$0x0];
	s2 =	stileid.u32  }
0x6b: {  	s1 =	rddreg [dreg:$0x1];
	p0 =	sne.s32 s2, $0x0  }
0x6c: {  	s3 =	rddreg [dreg:$0x2];
	[bflag:$0x3] =	sbarrier.arrive $0xFFFF;
	s2 =	simm.s32 @!p0 $0x1C02  }
0x6d: {  	[timem:s3], [sflag:s2] =	dma.local @!p0 [hbm:s0], s1  }
0x6e: {  	s0 =	simm.s32 @!p0 $0x2  }
0x6f: {  	_ =	swait.ge @!p0 [sflag:s0], s1  }
0x70: {  	s1 =	ssub.s32 @!p0 $0x0, s1;
	[sflag:s0] =	ssyncset.done @!p0 $0x0  }
0x71: {  	[sflag:s0] =	ssyncadd.s32 @!p0 s1  }
0x72: {  	[bflag:$0x3] =	sbarrier.arrive $0xFFFF  }
0x73: {  	_ =	shalt  }

</sc_bundles>
